<compile_context>
chip_gen: v7x
topology: tpu7x:2x2x1
jax: 0.10.2.dev20260603
libtpu: 0.0.44.dev20260713+nightly
codegen_flags: <defaults>
</compile_context>

<pallas_src>
import jax
import jax.numpy as jnp
from jax import lax
from jax.experimental import pallas as pl
from jax.experimental.pallas import tpu as pltpu
from jax.experimental.pallas import tpu_sc as plsc

_NUM_BUCKETS = 32
_H = 16
_Q = 2048
_K = 2048
_LINE = 4224
_SW = 4096
_BI = 128
_HALF = _LINE // 2


def _idx_body(scal_ref, out_ref):
    delta = scal_ref[0]
    boff = scal_ref[1]
    u = jax.lax.broadcasted_iota(jnp.int32, (1, _LINE), 1)
    rel = (2047 - u) + delta
    neg16 = jnp.where(rel < 0, 16, 0)
    n = jnp.abs(rel)
    nf = n.astype(jnp.float32)
    val_large = 8 + (jnp.log(nf / 8.0) / jnp.log(16.0) * 8.0).astype(jnp.int32)
    val_large = jnp.minimum(val_large, 15)
    bucket = neg16 + jnp.where(n < 8, n, val_large) + boff
    out_ref[...] = jnp.mod(bucket, _NUM_BUCKETS)


def _sc_gather_body(idx_hbm, table_hbm, line_hbm, idx_v, tbl_v, line_v):
    c = lax.axis_index("c")
    s = lax.axis_index("s")
    wid = s * 2 + c
    h = wid // 2
    half = wid % 2
    base = half * _HALF
    pltpu.sync_copy(idx_hbm.at[pl.ds(pl.multiple_of(base, 8), _HALF)], idx_v)
    pltpu.sync_copy(table_hbm.at[pl.ds(pl.multiple_of(h * _NUM_BUCKETS, 8),
                                       _NUM_BUCKETS)], tbl_v)

    t0 = tbl_v[pl.ds(0, 16)]
    t1 = tbl_v[pl.ds(16, 16)]

    def g16(vec, iv):
        return lax.gather(
            vec, iv[:, None],
            lax.GatherDimensionNumbers(
                offset_dims=(), collapsed_slice_dims=(0,),
                start_index_map=(0,)),
            slice_sizes=(1,),
            mode=lax.GatherScatterMode.PROMISE_IN_BOUNDS)

    def chunk(k, carry):
        off = pl.multiple_of(k * 16, 16)
        iv = idx_v[pl.ds(off, 16)]
        lo = g16(t0, jnp.minimum(iv, 15))
        hi = g16(t1, jnp.maximum(iv - 16, 0))
        line_v[pl.ds(off, 16)] = jnp.where(iv < 16, lo, hi)
        return carry

    lax.fori_loop(0, _HALF // 16, chunk, 0)
    pltpu.sync_copy(
        line_v,
        line_hbm.at[pl.ds(pl.multiple_of(h * _LINE + base, 8), _HALF)])


def _expand_body(line_ref, out_ref, b_ref, s_ref):
    rb = pl.program_id(1)

    @pl.when(rb == 0)
    def _build_stack():
        line = line_ref[0]
        for r in range(8):
            sh = 7 - r
            row = jnp.concatenate(
                [line[:, sh:], jnp.zeros((1, sh), jnp.float32)], axis=1
            ) if sh else line
            b_ref[pl.ds(r, 1), :] = row
        for q in range(16):
            sh = 120 - 8 * q
            s_ref[pl.ds(8 * q, 8), :] = b_ref[:, sh:sh + _SW]

    o = pl.multiple_of((15 - rb) * _BI, 128)
    out_ref[0, 0] = s_ref[:, pl.ds(o, _K)]


def kernel(q_len, k_len, bidirectional, relative_attention_bias):
    delta = jnp.asarray(q_len, jnp.int32) - jnp.asarray(k_len, jnp.int32)
    boff = jnp.asarray(bidirectional, jnp.int32) - 1
    scal = jnp.stack([delta, boff])

    idx = pl.pallas_call(
        _idx_body,
        in_specs=[pl.BlockSpec(memory_space=pltpu.SMEM)],
        out_shape=jax.ShapeDtypeStruct((1, _LINE), jnp.int32),
    )(scal).reshape(_LINE)

    mesh = plsc.VectorSubcoreMesh(core_axis_name="c", subcore_axis_name="s")
    gather = pl.kernel(
        _sc_gather_body,
        out_type=jax.ShapeDtypeStruct((_H * _LINE,), jnp.float32),
        mesh=mesh,
        scratch_types=[
            pltpu.VMEM((_HALF,), jnp.int32),
            pltpu.VMEM((_NUM_BUCKETS,), jnp.float32),
            pltpu.VMEM((_HALF,), jnp.float32),
        ],
    )
    line_all = gather(idx, relative_attention_bias.reshape(_H * _NUM_BUCKETS))
    line_all = line_all.reshape(_H, 1, _LINE)

    out = pl.pallas_call(
        _expand_body,
        grid=(_H, _Q // _BI),
        in_specs=[pl.BlockSpec((1, 1, _LINE), lambda h, rb: (h, 0, 0))],
        out_specs=pl.BlockSpec((1, 1, _BI, _K), lambda h, rb: (0, h, rb, 0)),
        out_shape=jax.ShapeDtypeStruct((1, _H, _Q, _K), jnp.float32),
        scratch_shapes=[
            pltpu.VMEM((8, _LINE), jnp.float32),
            pltpu.VMEM((_BI, _SW), jnp.float32),
        ],
        compiler_params=pltpu.CompilerParams(
            dimension_semantics=("arbitrary", "arbitrary")),
    )(line_all)
    return out

# --- scband reference (transcript-rebuilt; emitter-appended) ---
"""Pipeline reference for scband-relative-position-bias-919123001863 (READ-ONLY COPY).

The authoritative reference and input builder live on the scoring server;
editing this copy changes nothing except your own understanding.
"""

import jax, jax.numpy as jnp
import numpy as np

NUM_BUCKETS = 32
MAX_DISTANCE = 128
NUM_HEADS = 16


def _relative_position_bucket(relative_position, bidirectional, num_buckets, max_distance):
    ret = 0
    n = relative_position
    if bidirectional:
        num_buckets //= 2
        ret += (n < 0).astype(jnp.int32) * num_buckets
        n = jnp.abs(n)
    else:
        n = -n
        n = jnp.maximum(n, 0)
    max_exact = num_buckets // 2
    is_small = n < max_exact
    val_if_large = max_exact + (
        jnp.log(n.astype(jnp.float32) / max_exact)
        / jnp.log(max_distance / max_exact)
        * (num_buckets - max_exact)
    ).astype(jnp.int32)
    val_if_large = jnp.minimum(val_if_large, num_buckets - 1)
    ret += jnp.where(is_small, n, val_if_large)
    return ret


def setup_inputs(seed: int = 0) -> dict:
    key = jax.random.key(seed)
    relative_attention_bias = jax.random.normal(key, (NUM_HEADS, NUM_BUCKETS), dtype=jnp.float32)
    return {
        "q_len": 2048,
        "k_len": 2048,
        "bidirectional": 1,
        "relative_attention_bias": relative_attention_bias,
    }


def reference(q_len, k_len, bidirectional, relative_attention_bias):
    q_len_static = 2048
    k_len_static = 2048
    query_position = (
        jnp.arange(q_len_static, dtype=jnp.int32)
        + jnp.asarray(q_len, dtype=jnp.int32)
        - q_len_static
    )
    key_position = (
        jnp.arange(k_len_static, dtype=jnp.int32)
        + jnp.asarray(k_len, dtype=jnp.int32)
        - k_len_static
    )
    relative_position = query_position[:, jnp.newaxis] - key_position[jnp.newaxis, :]
    rp_bucket = _relative_position_bucket(
        relative_position,
        bidirectional=True,
        num_buckets=NUM_BUCKETS,
        max_distance=MAX_DISTANCE,
    )
    rp_bucket = rp_bucket + jnp.asarray(bidirectional, dtype=jnp.int32) - 1
    values = relative_attention_bias[:, rp_bucket]
    bias = jnp.expand_dims(values, axis=0)
    return bias

if __name__ == "__main__":
    import jax
    _d = setup_inputs()
    print(jax.jit(kernel)(*tuple(_d.values())))

</pallas_src>

<mosaic_0001>
#map = affine_map<(d0, d1) -> (0)>
module attributes {stable_mosaic.version = 14 : i64} {
  func.func @_sc_gather_body(%arg0: i32, %arg1: i32, %arg2: memref<4224xi32, #tpu.memory_space<hbm>>, %arg3: memref<512xf32, #tpu.memory_space<hbm>>, %arg4: memref<67584xf32, #tpu.memory_space<hbm>>, %arg5: memref<2112xi32, #tpu.memory_space<vmem>>, %arg6: memref<32xf32, #tpu.memory_space<vmem>>, %arg7: memref<2112xf32, #tpu.memory_space<vmem>>) attributes {dimension_semantics = [#tpu.dimension_semantics<core_parallel>, #tpu.dimension_semantics<subcore_parallel>], iteration_bounds = array<i64: 2, 16>, scalar_prefetch = 0 : i64, scratch_operands = 3 : i64, tpu.core_type = #tpu.core_type<sc_vector_subcore>, window_params = [{transform_indices = #map}, {transform_indices = #map}, {transform_indices = #map}]} {
    %mul3A = arith.constant 2 : i32
    %mul3A_0 = arith.muli %arg1, %mul3A : i32
    %add3A = arith.addi %mul3A_0, %arg0 : i32
    %jit3A = arith.constant 2 : i32
    %div3A = arith.divsi %add3A, %jit3A : i32
    %sign3A = arith.constant 0 : i32
    %sign3A_1 = arith.cmpi sgt, %add3A, %sign3A : i32
    %sign3A_2 = arith.extui %sign3A_1 : i1 to i32
    %sign3A_3 = arith.constant 0 : i32
    %sign3A_4 = arith.cmpi slt, %add3A, %sign3A_3 : i32
    %sign3A_5 = arith.extui %sign3A_4 : i1 to i32
    %sign3A_6 = arith.subi %sign3A_2, %sign3A_5 : i32
    %sign3A_7 = arith.constant 0 : i32
    %sign3A_8 = arith.cmpi sgt, %jit3A, %sign3A_7 : i32
    %sign3A_9 = arith.extui %sign3A_8 : i1 to i32
    %sign3A_10 = arith.constant 0 : i32
    %sign3A_11 = arith.cmpi slt, %jit3A, %sign3A_10 : i32
    %sign3A_12 = arith.extui %sign3A_11 : i1 to i32
    %sign3A_13 = arith.subi %sign3A_9, %sign3A_12 : i32
    %ne3A = arith.cmpi ne, %sign3A_6, %sign3A_13 : i32
    %rem3A = arith.remsi %add3A, %jit3A : i32
    %ne3A_14 = arith.constant 0 : i32
    %ne3A_15 = arith.cmpi ne, %rem3A, %ne3A_14 : i32
    %and3A = arith.andi %ne3A, %ne3A_15 : i1
    %sub3A = arith.constant 1 : i32
    %sub3A_16 = arith.subi %div3A, %sub3A : i32
    %select_n3A = arith.select %and3A, %sub3A_16, %div3A : i32
    %jit3A_17 = arith.constant 2 : i32
    %eq3A = arith.constant 0 : i32
    %eq3A_18 = arith.cmpi eq, %jit3A_17, %eq3A : i32
    %jit3A_19 = arith.constant 1 : i32
    %select_n3A_20 = arith.select %eq3A_18, %jit3A_19, %jit3A_17 : i32
    %rem3A_21 = arith.remsi %add3A, %select_n3A_20 : i32
    %ne3A_22 = arith.constant 0 : i32
    %ne3A_23 = arith.cmpi ne, %rem3A_21, %ne3A_22 : i32
    %lt3A = arith.constant 0 : i32
    %lt3A_24 = arith.cmpi slt, %rem3A_21, %lt3A : i32
    %lt3A_25 = arith.constant 0 : i32
    %lt3A_26 = arith.cmpi slt, %select_n3A_20, %lt3A_25 : i32
    %ne3A_27 = arith.xori %lt3A_24, %lt3A_26 : i1
    %and3A_28 = arith.andi %ne3A_27, %ne3A_23 : i1
    %add3A_29 = arith.addi %rem3A_21, %select_n3A_20 : i32
    %select_n3A_30 = arith.select %and3A_28, %add3A_29, %rem3A_21 : i32
    %mul3A_31 = arith.constant 2112 : i32
    %mul3A_32 = arith.muli %select_n3A_30, %mul3A_31 : i32
    %multiple_of3A = tpu.assume_multiple %mul3A_32, 8 : i32
    "tpu.region"() ({
      %run_scoped3A = tpu.sem_alloc : memref<!tpu.dma_semaphore, #tpu.memory_space<semaphore_mem>>
      %dma_start3A = tpu.memref_slice %arg2[%multiple_of3A] : memref<4224xi32, #tpu.memory_space<hbm>> -> memref<2112xi32, #tpu.memory_space<hbm>>
      %dma_start3A_50 = tpu.memref_slice %arg2[%multiple_of3A] : memref<4224xi32, #tpu.memory_space<hbm>> -> memref<2112xi32, #tpu.memory_space<hbm>>
      tpu.enqueue_dma source(%dma_start3A_50 : memref<2112xi32, #tpu.memory_space<hbm>>) target(%arg5 : memref<2112xi32, #tpu.memory_space<vmem>>) target_semaphore(%run_scoped3A : memref<!tpu.dma_semaphore, #tpu.memory_space<semaphore_mem>>)
      %dma_wait3A = tpu.memref_slice %arg2[%multiple_of3A] : memref<4224xi32, #tpu.memory_space<hbm>> -> memref<2112xi32, #tpu.memory_space<hbm>>
      %dma_wait3A_51 = tpu.memref_slice %arg2[%multiple_of3A] : memref<4224xi32, #tpu.memory_space<hbm>> -> memref<2112xi32, #tpu.memory_space<hbm>>
      tpu.wait_dma2 semaphore(%run_scoped3A : memref<!tpu.dma_semaphore, #tpu.memory_space<semaphore_mem>>) src(%dma_wait3A_51 : memref<2112xi32, #tpu.memory_space<hbm>>) dst(%arg5 : memref<2112xi32, #tpu.memory_space<vmem>>)
      tpu.yield
    }) : () -> ()
    %mul3A_33 = arith.constant 32 : i32
    %mul3A_34 = arith.muli %select_n3A, %mul3A_33 : i32
    %multiple_of3A_35 = tpu.assume_multiple %mul3A_34, 8 : i32
    "tpu.region"() ({
      %run_scoped3A = tpu.sem_alloc : memref<!tpu.dma_semaphore, #tpu.memory_space<semaphore_mem>>
      %dma_start3A = tpu.memref_slice %arg3[%multiple_of3A_35] : memref<512xf32, #tpu.memory_space<hbm>> -> memref<32xf32, #tpu.memory_space<hbm>>
      %dma_start3A_50 = tpu.memref_slice %arg3[%multiple_of3A_35] : memref<512xf32, #tpu.memory_space<hbm>> -> memref<32xf32, #tpu.memory_space<hbm>>
      tpu.enqueue_dma source(%dma_start3A_50 : memref<32xf32, #tpu.memory_space<hbm>>) target(%arg6 : memref<32xf32, #tpu.memory_space<vmem>>) target_semaphore(%run_scoped3A : memref<!tpu.dma_semaphore, #tpu.memory_space<semaphore_mem>>)
      %dma_wait3A = tpu.memref_slice %arg3[%multiple_of3A_35] : memref<512xf32, #tpu.memory_space<hbm>> -> memref<32xf32, #tpu.memory_space<hbm>>
      %dma_wait3A_51 = tpu.memref_slice %arg3[%multiple_of3A_35] : memref<512xf32, #tpu.memory_space<hbm>> -> memref<32xf32, #tpu.memory_space<hbm>>
      tpu.wait_dma2 semaphore(%run_scoped3A : memref<!tpu.dma_semaphore, #tpu.memory_space<semaphore_mem>>) src(%dma_wait3A_51 : memref<32xf32, #tpu.memory_space<hbm>>) dst(%arg6 : memref<32xf32, #tpu.memory_space<vmem>>)
      tpu.yield
    }) : () -> ()
    %get3A = arith.constant 0 : index
    %get3A_36 = tpu.vector_load %arg6[%get3A] {strides = array<i32>} : memref<32xf32, #tpu.memory_space<vmem>>, vector<16xf32>,
    %get3A_37 = vector.shape_cast %get3A_36 : vector<16xf32> to vector<16xf32>
    %get3A_38 = arith.constant 16 : index
    %get3A_39 = tpu.vector_load %arg6[%get3A_38] {strides = array<i32>} : memref<32xf32, #tpu.memory_space<vmem>>, vector<16xf32>,
    %get3A_40 = vector.shape_cast %get3A_39 : vector<16xf32> to vector<16xf32>
    %scan3A = arith.constant 0 : i32
    %scan3A_41 = arith.constant 0 : i32
    %scan3A_42 = arith.constant 132 : i32
    %scan3A_43 = arith.addi %scan3A_41, %scan3A_42 : i32
    %scan3A_44 = arith.constant 1 : i32
    scf.for %scan3A_50 = %scan3A_41 to %scan3A_43 step %scan3A_44  : i32 {
      %mul3A_51 = arith.constant 16 : i32
      %mul3A_52 = arith.muli %scan3A_50, %mul3A_51 : i32
      %multiple_of3A_53 = tpu.assume_multiple %mul3A_52, 16 : i32
      %get3A_54 = arith.index_cast %multiple_of3A_53 : i32 to index
      %get3A_55 = tpu.vector_load %arg5[%get3A_54] {strides = array<i32>} : memref<2112xi32, #tpu.memory_space<vmem>>, vector<16xi32>,
      %get3A_56 = vector.shape_cast %get3A_55 : vector<16xi32> to vector<16xi32>
      %min3A = arith.constant 15 : i32
      %min3A_57 = vector.broadcast %min3A : i32 to vector<16xi32>
      %min3A_58 = arith.minsi %get3A_56, %min3A_57 : vector<16xi32>
      %broadcast_in_dim3A = vector.shape_cast %min3A_58 : vector<16xi32> to vector<16x1xi32>
      %gather3A = vector.shape_cast %broadcast_in_dim3A : vector<16x1xi32> to vector<16xi32>
      %gather3A_59 = tpu.dynamic_gather %get3A_37[%gather3A] in [0] : vector<16xf32>, vector<16xi32> -> vector<16xf32>
      %sub3A_60 = arith.constant 16 : i32
      %sub3A_61 = vector.broadcast %sub3A_60 : i32 to vector<16xi32>
      %sub3A_62 = arith.subi %get3A_56, %sub3A_61 : vector<16xi32>
      %max3A = arith.constant 0 : i32
      %max3A_63 = vector.broadcast %max3A : i32 to vector<16xi32>
      %max3A_64 = arith.maxsi %sub3A_62, %max3A_63 : vector<16xi32>
      %broadcast_in_dim3A_65 = vector.shape_cast %max3A_64 : vector<16xi32> to vector<16x1xi32>
      %gather3A_66 = vector.shape_cast %broadcast_in_dim3A_65 : vector<16x1xi32> to vector<16xi32>
      %gather3A_67 = tpu.dynamic_gather %get3A_40[%gather3A_66] in [0] : vector<16xf32>, vector<16xi32> -> vector<16xf32>
      %lt3A_68 = arith.constant 16 : i32
      %lt3A_69 = vector.broadcast %lt3A_68 : i32 to vector<16xi32>
      %lt3A_70 = arith.cmpi slt, %get3A_56, %lt3A_69 : vector<16xi32>
      %select_n3A_71 = arith.select %lt3A_70, %gather3A_59, %gather3A_67 : vector<16xi1>, vector<16xf32>
      %swap3A = arith.index_cast %multiple_of3A_53 : i32 to index
      %swap3A_72 = tpu.vector_load %arg7[%swap3A] {strides = array<i32>} : memref<2112xf32, #tpu.memory_space<vmem>>, vector<16xf32>,
      %swap3A_73 = vector.shape_cast %swap3A_72 : vector<16xf32> to vector<16xf32>
      %swap3A_74 = vector.shape_cast %select_n3A_71 : vector<16xf32> to vector<16xf32>
      tpu.vector_store %arg7[%swap3A], %swap3A_74 {strides = array<i32>} : memref<2112xf32, #tpu.memory_space<vmem>>, vector<16xf32>,
    }
    %scan3A_45 = arith.constant 132 : i32
    %mul3A_46 = arith.constant 4224 : i32
    %mul3A_47 = arith.muli %select_n3A, %mul3A_46 : i32
    %add3A_48 = arith.addi %mul3A_47, %mul3A_32 : i32
    %multiple_of3A_49 = tpu.assume_multiple %add3A_48, 8 : i32
    "tpu.region"() ({
      %run_scoped3A = tpu.sem_alloc : memref<!tpu.dma_semaphore, #tpu.memory_space<semaphore_mem>>
      %dma_start3A = tpu.memref_slice %arg4[%multiple_of3A_49] : memref<67584xf32, #tpu.memory_space<hbm>> -> memref<2112xf32, #tpu.memory_space<hbm>>
      %dma_start3A_50 = tpu.memref_slice %arg4[%multiple_of3A_49] : memref<67584xf32, #tpu.memory_space<hbm>> -> memref<2112xf32, #tpu.memory_space<hbm>>
      tpu.enqueue_dma source(%arg7 : memref<2112xf32, #tpu.memory_space<vmem>>) target(%dma_start3A_50 : memref<2112xf32, #tpu.memory_space<hbm>>) target_semaphore(%run_scoped3A : memref<!tpu.dma_semaphore, #tpu.memory_space<semaphore_mem>>)
      %dma_wait3A = tpu.memref_slice %arg4[%multiple_of3A_49] : memref<67584xf32, #tpu.memory_space<hbm>> -> memref<2112xf32, #tpu.memory_space<hbm>>
      %dma_wait3A_51 = tpu.memref_slice %arg4[%multiple_of3A_49] : memref<67584xf32, #tpu.memory_space<hbm>> -> memref<2112xf32, #tpu.memory_space<hbm>>
      tpu.wait_dma2 semaphore(%run_scoped3A : memref<!tpu.dma_semaphore, #tpu.memory_space<semaphore_mem>>) src(%arg7 : memref<2112xf32, #tpu.memory_space<vmem>>) dst(%dma_wait3A_51 : memref<2112xf32, #tpu.memory_space<hbm>>)
      tpu.yield
    }) : () -> ()
    return
  }
}

module attributes {stable_mosaic.version = 14 : i64} {
  func.func @_idx_body(%arg0: memref<2xi32, #tpu.memory_space<smem>>, %arg1: memref<1x4224xi32, #tpu.memory_space<vmem>>) attributes {dimension_semantics = [], scalar_prefetch = 0 : i64, scratch_operands = 0 : i64, tpu.core_type = #tpu.core_type<tc>} {
    %get3A = arith.constant 0 : index
    %get3A_0 = memref.load %arg0[%get3A] : memref<2xi32, #tpu.memory_space<smem>>
    %get3A_1 = arith.constant 1 : index
    %get3A_2 = memref.load %arg0[%get3A_1] : memref<2xi32, #tpu.memory_space<smem>>
    %iota3A = tpu.iota {dimensions = array<i32: 1>} : vector<1x4224xi32>
    %sub3A = arith.constant 2047 : i32
    %sub3A_3 = vector.broadcast %sub3A : i32 to vector<1x4224xi32>
    %sub3A_4 = arith.subi %sub3A_3, %iota3A : vector<1x4224xi32>
    %add3A = vector.broadcast %get3A_0 : i32 to vector<1x4224xi32>
    %add3A_5 = arith.addi %sub3A_4, %add3A : vector<1x4224xi32>
    %lt3A = arith.constant 0 : i32
    %lt3A_6 = vector.broadcast %lt3A : i32 to vector<1x4224xi32>
    %lt3A_7 = arith.cmpi slt, %add3A_5, %lt3A_6 : vector<1x4224xi32>
    %jit3A = arith.constant 16 : i32
    %jit3A_8 = arith.constant 0 : i32
    %broadcast_in_dim3A = vector.broadcast %jit3A : i32 to vector<1x4224xi32>
    %broadcast_in_dim3A_9 = vector.broadcast %jit3A_8 : i32 to vector<1x4224xi32>
    %select_n3A = arith.select %lt3A_7, %broadcast_in_dim3A, %broadcast_in_dim3A_9 : vector<1x4224xi1>, vector<1x4224xi32>
    %abs3A = math.absi %add3A_5 : vector<1x4224xi32>
    %convert_element_type3A = arith.sitofp %abs3A : vector<1x4224xi32> to vector<1x4224xf32>
    %div3A = arith.constant 8.000000e+00 : f32
    %div3A_10 = vector.broadcast %div3A : f32 to vector<1x4224xf32>
    %div3A_11 = arith.divf %convert_element_type3A, %div3A_10 : vector<1x4224xf32>
    %log3A = math.log %div3A_11 : vector<1x4224xf32>
    %log3A_12 = arith.constant 1.600000e+01 : f32
    %log3A_13 = math.log %log3A_12 : f32
    %div3A_14 = vector.broadcast %log3A_13 : f32 to vector<1x4224xf32>
    %div3A_15 = arith.divf %log3A, %div3A_14 : vector<1x4224xf32>
    %mul3A = arith.constant 8.000000e+00 : f32
    %mul3A_16 = vector.broadcast %mul3A : f32 to vector<1x4224xf32>
    %mul3A_17 = arith.mulf %div3A_15, %mul3A_16 : vector<1x4224xf32>
    %convert_element_type3A_18 = arith.fptosi %mul3A_17 : vector<1x4224xf32> to vector<1x4224xi32>
    %add3A_19 = arith.constant 8 : i32
    %add3A_20 = vector.broadcast %add3A_19 : i32 to vector<1x4224xi32>
    %add3A_21 = arith.addi %add3A_20, %convert_element_type3A_18 : vector<1x4224xi32>
    %min3A = arith.constant 15 : i32
    %min3A_22 = vector.broadcast %min3A : i32 to vector<1x4224xi32>
    %min3A_23 = arith.minsi %add3A_21, %min3A_22 : vector<1x4224xi32>
    %lt3A_24 = arith.constant 8 : i32
    %lt3A_25 = vector.broadcast %lt3A_24 : i32 to vector<1x4224xi32>
    %lt3A_26 = arith.cmpi slt, %abs3A, %lt3A_25 : vector<1x4224xi32>
    %select_n3A_27 = arith.select %lt3A_26, %abs3A, %min3A_23 : vector<1x4224xi1>, vector<1x4224xi32>
    %add3A_28 = arith.addi %select_n3A, %select_n3A_27 : vector<1x4224xi32>
    %add3A_29 = vector.broadcast %get3A_2 : i32 to vector<1x4224xi32>
    %add3A_30 = arith.addi %add3A_28, %add3A_29 : vector<1x4224xi32>
    %jit3A_31 = arith.constant 32 : i32
    %eq3A = arith.constant 0 : i32
    %eq3A_32 = arith.cmpi eq, %jit3A_31, %eq3A : i32
    %jit3A_33 = arith.constant 1 : i32
    %select_n3A_34 = arith.select %eq3A_32, %jit3A_33, %jit3A_31 : i32
    %rem3A = vector.broadcast %select_n3A_34 : i32 to vector<1x4224xi32>
    %rem3A_35 = arith.remsi %add3A_30, %rem3A : vector<1x4224xi32>
    %ne3A = arith.constant 0 : i32
    %ne3A_36 = vector.broadcast %ne3A : i32 to vector<1x4224xi32>
    %ne3A_37 = arith.cmpi ne, %rem3A_35, %ne3A_36 : vector<1x4224xi32>
    %lt3A_38 = arith.constant 0 : i32
    %lt3A_39 = vector.broadcast %lt3A_38 : i32 to vector<1x4224xi32>
    %lt3A_40 = arith.cmpi slt, %rem3A_35, %lt3A_39 : vector<1x4224xi32>
    %lt3A_41 = arith.constant 0 : i32
    %lt3A_42 = arith.cmpi slt, %select_n3A_34, %lt3A_41 : i32
    %ne3A_43 = vector.broadcast %lt3A_42 : i1 to vector<1x4224xi1>
    %ne3A_44 = vector.broadcast %ne3A_43 : vector<1x4224xi1> to vector<1x4224xi1>
    %ne3A_45 = arith.xori %lt3A_40, %ne3A_44 : vector<1x4224xi1>
    %and3A = arith.andi %ne3A_45, %ne3A_37 : vector<1x4224xi1>
    %add3A_46 = vector.broadcast %select_n3A_34 : i32 to vector<1x4224xi32>
    %add3A_47 = arith.addi %rem3A_35, %add3A_46 : vector<1x4224xi32>
    %select_n3A_48 = arith.select %and3A, %add3A_47, %rem3A_35 : vector<1x4224xi1>, vector<1x4224xi32>
    %swap3A = arith.constant 0 : index
    %swap3A_49 = arith.constant 0 : index
    %swap3A_50 = vector.load %arg1[%swap3A, %swap3A_49] : memref<1x4224xi32, #tpu.memory_space<vmem>>, vector<1x4224xi32>
    tpu.vector_store %arg1[%swap3A, %swap3A_49], %select_n3A_48 {strides = array<i32>} : memref<1x4224xi32, #tpu.memory_space<vmem>>, vector<1x4224xi32>,
    return
  }
}

module attributes {stable_mosaic.version = 14 : i64} {
  func.func @_expand_body(%arg0: i32, %arg1: i32, %arg2: memref<1x1x4224xf32, #tpu.memory_space<vmem>>, %arg3: memref<1x1x128x2048xf32, #tpu.memory_space<vmem>>, %arg4: memref<8x4224xf32, #tpu.memory_space<vmem>>, %arg5: memref<128x4096xf32, #tpu.memory_space<vmem>>) attributes {dimension_semantics = [#tpu.dimension_semantics<arbitrary>, #tpu.dimension_semantics<arbitrary>], iteration_bounds = array<i64: 16, 16>, scalar_prefetch = 0 : i64, scratch_operands = 2 : i64, tpu.core_type = #tpu.core_type<tc>, window_params = [{transform_indices = @transform_0, window_bounds = array<i64: 1, 1, 4224>}, {transform_indices = @transform_1, window_bounds = array<i64: 1, 1, 128, 2048>}]} {
    %eq3A = arith.constant 0 : i32
    %eq3A_0 = arith.cmpi eq, %arg1, %eq3A : i32
    %convert_element_type3A = arith.extui %eq3A_0 : i1 to i32
    %cond3A = arith.constant 0 : i32
    %cond3A_1 = arith.cmpi ne, %convert_element_type3A, %cond3A : i32
    scf.if %cond3A_1 {
      %get3A_12 = arith.constant 0 : index
      %get3A_13 = arith.constant 0 : index
      %get3A_14 = arith.constant 0 : index
      %get3A_15 = vector.load %arg2[%get3A_12, %get3A_13, %get3A_14] : memref<1x1x4224xf32, #tpu.memory_space<vmem>>, vector<1x1x4224xf32>
      %get3A_16 = vector.shape_cast %get3A_15 : vector<1x1x4224xf32> to vector<1x4224xf32>
      %slice3A = vector.extract_strided_slice %get3A_16 {offsets = [0, 7], sizes = [1, 4217], strides = [1, 1]} : vector<1x4224xf32> to vector<1x4217xf32>
      %broadcast_in_dim3A = arith.constant 0.000000e+00 : f32
      %broadcast_in_dim3A_17 = vector.broadcast %broadcast_in_dim3A : f32 to vector<1x7xf32>
      %concatenate3A = tpu.concatenate %slice3A, %broadcast_in_dim3A_17 in 1 : vector<1x4217xf32>, vector<1x7xf32> -> vector<1x4224xf32>
      %swap3A_18 = arith.constant 0 : index
      %swap3A_19 = arith.constant 0 : index
      %swap3A_20 = vector.load %arg4[%swap3A_18, %swap3A_19] : memref<8x4224xf32, #tpu.memory_space<vmem>>, vector<1x4224xf32>
      tpu.vector_store %arg4[%swap3A_18, %swap3A_19], %concatenate3A {strides = array<i32>} : memref<8x4224xf32, #tpu.memory_space<vmem>>, vector<1x4224xf32>,
      %slice3A_21 = vector.extract_strided_slice %get3A_16 {offsets = [0, 6], sizes = [1, 4218], strides = [1, 1]} : vector<1x4224xf32> to vector<1x4218xf32>
      %broadcast_in_dim3A_22 = arith.constant 0.000000e+00 : f32
      %broadcast_in_dim3A_23 = vector.broadcast %broadcast_in_dim3A_22 : f32 to vector<1x6xf32>
      %concatenate3A_24 = tpu.concatenate %slice3A_21, %broadcast_in_dim3A_23 in 1 : vector<1x4218xf32>, vector<1x6xf32> -> vector<1x4224xf32>
      %swap3A_25 = arith.constant 1 : index
      %swap3A_26 = arith.constant 0 : index
      %swap3A_27 = vector.load %arg4[%swap3A_25, %swap3A_26] : memref<8x4224xf32, #tpu.memory_space<vmem>>, vector<1x4224xf32>
      tpu.vector_store %arg4[%swap3A_25, %swap3A_26], %concatenate3A_24 {strides = array<i32>} : memref<8x4224xf32, #tpu.memory_space<vmem>>, vector<1x4224xf32>,
      %slice3A_28 = vector.extract_strided_slice %get3A_16 {offsets = [0, 5], sizes = [1, 4219], strides = [1, 1]} : vector<1x4224xf32> to vector<1x4219xf32>
      %broadcast_in_dim3A_29 = arith.constant 0.000000e+00 : f32
      %broadcast_in_dim3A_30 = vector.broadcast %broadcast_in_dim3A_29 : f32 to vector<1x5xf32>
      %concatenate3A_31 = tpu.concatenate %slice3A_28, %broadcast_in_dim3A_30 in 1 : vector<1x4219xf32>, vector<1x5xf32> -> vector<1x4224xf32>
      %swap3A_32 = arith.constant 2 : index
      %swap3A_33 = arith.constant 0 : index
      %swap3A_34 = vector.load %arg4[%swap3A_32, %swap3A_33] : memref<8x4224xf32, #tpu.memory_space<vmem>>, vector<1x4224xf32>
      tpu.vector_store %arg4[%swap3A_32, %swap3A_33], %concatenate3A_31 {strides = array<i32>} : memref<8x4224xf32, #tpu.memory_space<vmem>>, vector<1x4224xf32>,
      %slice3A_35 = vector.extract_strided_slice %get3A_16 {offsets = [0, 4], sizes = [1, 4220], strides = [1, 1]} : vector<1x4224xf32> to vector<1x4220xf32>
      %broadcast_in_dim3A_36 = arith.constant 0.000000e+00 : f32
      %broadcast_in_dim3A_37 = vector.broadcast %broadcast_in_dim3A_36 : f32 to vector<1x4xf32>
      %concatenate3A_38 = tpu.concatenate %slice3A_35, %broadcast_in_dim3A_37 in 1 : vector<1x4220xf32>, vector<1x4xf32> -> vector<1x4224xf32>
      %swap3A_39 = arith.constant 3 : index
      %swap3A_40 = arith.constant 0 : index
      %swap3A_41 = vector.load %arg4[%swap3A_39, %swap3A_40] : memref<8x4224xf32, #tpu.memory_space<vmem>>, vector<1x4224xf32>
      tpu.vector_store %arg4[%swap3A_39, %swap3A_40], %concatenate3A_38 {strides = array<i32>} : memref<8x4224xf32, #tpu.memory_space<vmem>>, vector<1x4224xf32>,
      %slice3A_42 = vector.extract_strided_slice %get3A_16 {offsets = [0, 3], sizes = [1, 4221], strides = [1, 1]} : vector<1x4224xf32> to vector<1x4221xf32>
      %broadcast_in_dim3A_43 = arith.constant 0.000000e+00 : f32
      %broadcast_in_dim3A_44 = vector.broadcast %broadcast_in_dim3A_43 : f32 to vector<1x3xf32>
      %concatenate3A_45 = tpu.concatenate %slice3A_42, %broadcast_in_dim3A_44 in 1 : vector<1x4221xf32>, vector<1x3xf32> -> vector<1x4224xf32>
      %swap3A_46 = arith.constant 4 : index
      %swap3A_47 = arith.constant 0 : index
      %swap3A_48 = vector.load %arg4[%swap3A_46, %swap3A_47] : memref<8x4224xf32, #tpu.memory_space<vmem>>, vector<1x4224xf32>
      tpu.vector_store %arg4[%swap3A_46, %swap3A_47], %concatenate3A_45 {strides = array<i32>} : memref<8x4224xf32, #tpu.memory_space<vmem>>, vector<1x4224xf32>,
      %slice3A_49 = vector.extract_strided_slice %get3A_16 {offsets = [0, 2], sizes = [1, 4222], strides = [1, 1]} : vector<1x4224xf32> to vector<1x4222xf32>
      %broadcast_in_dim3A_50 = arith.constant 0.000000e+00 : f32
      %broadcast_in_dim3A_51 = vector.broadcast %broadcast_in_dim3A_50 : f32 to vector<1x2xf32>
      %concatenate3A_52 = tpu.concatenate %slice3A_49, %broadcast_in_dim3A_51 in 1 : vector<1x4222xf32>, vector<1x2xf32> -> vector<1x4224xf32>
      %swap3A_53 = arith.constant 5 : index
      %swap3A_54 = arith.constant 0 : index
      %swap3A_55 = vector.load %arg4[%swap3A_53, %swap3A_54] : memref<8x4224xf32, #tpu.memory_space<vmem>>, vector<1x4224xf32>
      tpu.vector_store %arg4[%swap3A_53, %swap3A_54], %concatenate3A_52 {strides = array<i32>} : memref<8x4224xf32, #tpu.memory_space<vmem>>, vector<1x4224xf32>,
      %slice3A_56 = vector.extract_strided_slice %get3A_16 {offsets = [0, 1], sizes = [1, 4223], strides = [1, 1]} : vector<1x4224xf32> to vector<1x4223xf32>
      %broadcast_in_dim3A_57 = arith.constant 0.000000e+00 : f32
      %broadcast_in_dim3A_58 = vector.broadcast %broadcast_in_dim3A_57 : f32 to vector<1x1xf32>
      %concatenate3A_59 = tpu.concatenate %slice3A_56, %broadcast_in_dim3A_58 in 1 : vector<1x4223xf32>, vector<1x1xf32> -> vector<1x4224xf32>
      %swap3A_60 = arith.constant 6 : index
      %swap3A_61 = arith.constant 0 : index
      %swap3A_62 = vector.load %arg4[%swap3A_60, %swap3A_61] : memref<8x4224xf32, #tpu.memory_space<vmem>>, vector<1x4224xf32>
      tpu.vector_store %arg4[%swap3A_60, %swap3A_61], %concatenate3A_59 {strides = array<i32>} : memref<8x4224xf32, #tpu.memory_space<vmem>>, vector<1x4224xf32>,
      %swap3A_63 = arith.constant 7 : index
      %swap3A_64 = arith.constant 0 : index
      %swap3A_65 = vector.load %arg4[%swap3A_63, %swap3A_64] : memref<8x4224xf32, #tpu.memory_space<vmem>>, vector<1x4224xf32>
      tpu.vector_store %arg4[%swap3A_63, %swap3A_64], %get3A_16 {strides = array<i32>} : memref<8x4224xf32, #tpu.memory_space<vmem>>, vector<1x4224xf32>,
      %get3A_66 = arith.constant 0 : index
      %get3A_67 = arith.constant 120 : index
      %get3A_68 = vector.load %arg4[%get3A_66, %get3A_67] : memref<8x4224xf32, #tpu.memory_space<vmem>>, vector<8x4096xf32>
      %swap3A_69 = arith.constant 0 : index
      %swap3A_70 = arith.constant 0 : index
      %swap3A_71 = vector.load %arg5[%swap3A_69, %swap3A_70] : memref<128x4096xf32, #tpu.memory_space<vmem>>, vector<8x4096xf32>
      tpu.vector_store %arg5[%swap3A_69, %swap3A_70], %get3A_68 {strides = array<i32>} : memref<128x4096xf32, #tpu.memory_space<vmem>>, vector<8x4096xf32>,
      %get3A_72 = arith.constant 0 : index
      %get3A_73 = arith.constant 112 : index
      %get3A_74 = vector.load %arg4[%get3A_72, %get3A_73] : memref<8x4224xf32, #tpu.memory_space<vmem>>, vector<8x4096xf32>
      %swap3A_75 = arith.constant 8 : index
      %swap3A_76 = arith.constant 0 : index
      %swap3A_77 = vector.load %arg5[%swap3A_75, %swap3A_76] : memref<128x4096xf32, #tpu.memory_space<vmem>>, vector<8x4096xf32>
      tpu.vector_store %arg5[%swap3A_75, %swap3A_76], %get3A_74 {strides = array<i32>} : memref<128x4096xf32, #tpu.memory_space<vmem>>, vector<8x4096xf32>,
      %get3A_78 = arith.constant 0 : index
      %get3A_79 = arith.constant 104 : index
      %get3A_80 = vector.load %arg4[%get3A_78, %get3A_79] : memref<8x4224xf32, #tpu.memory_space<vmem>>, vector<8x4096xf32>
      %swap3A_81 = arith.constant 16 : index
      %swap3A_82 = arith.constant 0 : index
      %swap3A_83 = vector.load %arg5[%swap3A_81, %swap3A_82] : memref<128x4096xf32, #tpu.memory_space<vmem>>, vector<8x4096xf32>
      tpu.vector_store %arg5[%swap3A_81, %swap3A_82], %get3A_80 {strides = array<i32>} : memref<128x4096xf32, #tpu.memory_space<vmem>>, vector<8x4096xf32>,
      %get3A_84 = arith.constant 0 : index
      %get3A_85 = arith.constant 96 : index
      %get3A_86 = vector.load %arg4[%get3A_84, %get3A_85] : memref<8x4224xf32, #tpu.memory_space<vmem>>, vector<8x4096xf32>
      %swap3A_87 = arith.constant 24 : index
      %swap3A_88 = arith.constant 0 : index
      %swap3A_89 = vector.load %arg5[%swap3A_87, %swap3A_88] : memref<128x4096xf32, #tpu.memory_space<vmem>>, vector<8x4096xf32>
      tpu.vector_store %arg5[%swap3A_87, %swap3A_88], %get3A_86 {strides = array<i32>} : memref<128x4096xf32, #tpu.memory_space<vmem>>, vector<8x4096xf32>,
      %get3A_90 = arith.constant 0 : index
      %get3A_91 = arith.constant 88 : index
      %get3A_92 = vector.load %arg4[%get3A_90, %get3A_91] : memref<8x4224xf32, #tpu.memory_space<vmem>>, vector<8x4096xf32>
      %swap3A_93 = arith.constant 32 : index
      %swap3A_94 = arith.constant 0 : index
      %swap3A_95 = vector.load %arg5[%swap3A_93, %swap3A_94] : memref<128x4096xf32, #tpu.memory_space<vmem>>, vector<8x4096xf32>
      tpu.vector_store %arg5[%swap3A_93, %swap3A_94], %get3A_92 {strides = array<i32>} : memref<128x4096xf32, #tpu.memory_space<vmem>>, vector<8x4096xf32>,
      %get3A_96 = arith.constant 0 : index
      %get3A_97 = arith.constant 80 : index
      %get3A_98 = vector.load %arg4[%get3A_96, %get3A_97] : memref<8x4224xf32, #tpu.memory_space<vmem>>, vector<8x4096xf32>
      %swap3A_99 = arith.constant 40 : index
      %swap3A_100 = arith.constant 0 : index
      %swap3A_101 = vector.load %arg5[%swap3A_99, %swap3A_100] : memref<128x4096xf32, #tpu.memory_space<vmem>>, vector<8x4096xf32>
      tpu.vector_store %arg5[%swap3A_99, %swap3A_100], %get3A_98 {strides = array<i32>} : memref<128x4096xf32, #tpu.memory_space<vmem>>, vector<8x4096xf32>,
      %get3A_102 = arith.constant 0 : index
      %get3A_103 = arith.constant 72 : index
      %get3A_104 = vector.load %arg4[%get3A_102, %get3A_103] : memref<8x4224xf32, #tpu.memory_space<vmem>>, vector<8x4096xf32>
      %swap3A_105 = arith.constant 48 : index
      %swap3A_106 = arith.constant 0 : index
      %swap3A_107 = vector.load %arg5[%swap3A_105, %swap3A_106] : memref<128x4096xf32, #tpu.memory_space<vmem>>, vector<8x4096xf32>
      tpu.vector_store %arg5[%swap3A_105, %swap3A_106], %get3A_104 {strides = array<i32>} : memref<128x4096xf32, #tpu.memory_space<vmem>>, vector<8x4096xf32>,
      %get3A_108 = arith.constant 0 : index
      %get3A_109 = arith.constant 64 : index
      %get3A_110 = vector.load %arg4[%get3A_108, %get3A_109] : memref<8x4224xf32, #tpu.memory_space<vmem>>, vector<8x4096xf32>
      %swap3A_111 = arith.constant 56 : index
      %swap3A_112 = arith.constant 0 : index
      %swap3A_113 = vector.load %arg5[%swap3A_111, %swap3A_112] : memref<128x4096xf32, #tpu.memory_space<vmem>>, vector<8x4096xf32>
      tpu.vector_store %arg5[%swap3A_111, %swap3A_112], %get3A_110 {strides = array<i32>} : memref<128x4096xf32, #tpu.memory_space<vmem>>, vector<8x4096xf32>,
      %get3A_114 = arith.constant 0 : index
      %get3A_115 = arith.constant 56 : index
      %get3A_116 = vector.load %arg4[%get3A_114, %get3A_115] : memref<8x4224xf32, #tpu.memory_space<vmem>>, vector<8x4096xf32>
      %swap3A_117 = arith.constant 64 : index
      %swap3A_118 = arith.constant 0 : index
      %swap3A_119 = vector.load %arg5[%swap3A_117, %swap3A_118] : memref<128x4096xf32, #tpu.memory_space<vmem>>, vector<8x4096xf32>
      tpu.vector_store %arg5[%swap3A_117, %swap3A_118], %get3A_116 {strides = array<i32>} : memref<128x4096xf32, #tpu.memory_space<vmem>>, vector<8x4096xf32>,
      %get3A_120 = arith.constant 0 : index
      %get3A_121 = arith.constant 48 : index
      %get3A_122 = vector.load %arg4[%get3A_120, %get3A_121] : memref<8x4224xf32, #tpu.memory_space<vmem>>, vector<8x4096xf32>
      %swap3A_123 = arith.constant 72 : index
      %swap3A_124 = arith.constant 0 : index
      %swap3A_125 = vector.load %arg5[%swap3A_123, %swap3A_124] : memref<128x4096xf32, #tpu.memory_space<vmem>>, vector<8x4096xf32>
      tpu.vector_store %arg5[%swap3A_123, %swap3A_124], %get3A_122 {strides = array<i32>} : memref<128x4096xf32, #tpu.memory_space<vmem>>, vector<8x4096xf32>,
      %get3A_126 = arith.constant 0 : index
      %get3A_127 = arith.constant 40 : index
      %get3A_128 = vector.load %arg4[%get3A_126, %get3A_127] : memref<8x4224xf32, #tpu.memory_space<vmem>>, vector<8x4096xf32>
      %swap3A_129 = arith.constant 80 : index
      %swap3A_130 = arith.constant 0 : index
      %swap3A_131 = vector.load %arg5[%swap3A_129, %swap3A_130] : memref<128x4096xf32, #tpu.memory_space<vmem>>, vector<8x4096xf32>
      tpu.vector_store %arg5[%swap3A_129, %swap3A_130], %get3A_128 {strides = array<i32>} : memref<128x4096xf32, #tpu.memory_space<vmem>>, vector<8x4096xf32>,
      %get3A_132 = arith.constant 0 : index
      %get3A_133 = arith.constant 32 : index
      %get3A_134 = vector.load %arg4[%get3A_132, %get3A_133] : memref<8x4224xf32, #tpu.memory_space<vmem>>, vector<8x4096xf32>
      %swap3A_135 = arith.constant 88 : index
      %swap3A_136 = arith.constant 0 : index
      %swap3A_137 = vector.load %arg5[%swap3A_135, %swap3A_136] : memref<128x4096xf32, #tpu.memory_space<vmem>>, vector<8x4096xf32>
      tpu.vector_store %arg5[%swap3A_135, %swap3A_136], %get3A_134 {strides = array<i32>} : memref<128x4096xf32, #tpu.memory_space<vmem>>, vector<8x4096xf32>,
      %get3A_138 = arith.constant 0 : index
      %get3A_139 = arith.constant 24 : index
      %get3A_140 = vector.load %arg4[%get3A_138, %get3A_139] : memref<8x4224xf32, #tpu.memory_space<vmem>>, vector<8x4096xf32>
      %swap3A_141 = arith.constant 96 : index
      %swap3A_142 = arith.constant 0 : index
      %swap3A_143 = vector.load %arg5[%swap3A_141, %swap3A_142] : memref<128x4096xf32, #tpu.memory_space<vmem>>, vector<8x4096xf32>
      tpu.vector_store %arg5[%swap3A_141, %swap3A_142], %get3A_140 {strides = array<i32>} : memref<128x4096xf32, #tpu.memory_space<vmem>>, vector<8x4096xf32>,
      %get3A_144 = arith.constant 0 : index
      %get3A_145 = arith.constant 16 : index
      %get3A_146 = vector.load %arg4[%get3A_144, %get3A_145] : memref<8x4224xf32, #tpu.memory_space<vmem>>, vector<8x4096xf32>
      %swap3A_147 = arith.constant 104 : index
      %swap3A_148 = arith.constant 0 : index
      %swap3A_149 = vector.load %arg5[%swap3A_147, %swap3A_148] : memref<128x4096xf32, #tpu.memory_space<vmem>>, vector<8x4096xf32>
      tpu.vector_store %arg5[%swap3A_147, %swap3A_148], %get3A_146 {strides = array<i32>} : memref<128x4096xf32, #tpu.memory_space<vmem>>, vector<8x4096xf32>,
      %get3A_150 = arith.constant 0 : index
      %get3A_151 = arith.constant 8 : index
      %get3A_152 = vector.load %arg4[%get3A_150, %get3A_151] : memref<8x4224xf32, #tpu.memory_space<vmem>>, vector<8x4096xf32>
      %swap3A_153 = arith.constant 112 : index
      %swap3A_154 = arith.constant 0 : index
      %swap3A_155 = vector.load %arg5[%swap3A_153, %swap3A_154] : memref<128x4096xf32, #tpu.memory_space<vmem>>, vector<8x4096xf32>
      tpu.vector_store %arg5[%swap3A_153, %swap3A_154], %get3A_152 {strides = array<i32>} : memref<128x4096xf32, #tpu.memory_space<vmem>>, vector<8x4096xf32>,
      %get3A_156 = arith.constant 0 : index
      %get3A_157 = arith.constant 0 : index
      %get3A_158 = vector.load %arg4[%get3A_156, %get3A_157] : memref<8x4224xf32, #tpu.memory_space<vmem>>, vector<8x4096xf32>
      %swap3A_159 = arith.constant 120 : index
      %swap3A_160 = arith.constant 0 : index
      %swap3A_161 = vector.load %arg5[%swap3A_159, %swap3A_160] : memref<128x4096xf32, #tpu.memory_space<vmem>>, vector<8x4096xf32>
      tpu.vector_store %arg5[%swap3A_159, %swap3A_160], %get3A_158 {strides = array<i32>} : memref<128x4096xf32, #tpu.memory_space<vmem>>, vector<8x4096xf32>,
    } else {
    }
    %sub3A = arith.constant 15 : i32
    %sub3A_2 = arith.subi %sub3A, %arg1 : i32
    %mul3A = arith.constant 128 : i32
    %mul3A_3 = arith.muli %sub3A_2, %mul3A : i32
    %multiple_of3A = tpu.assume_multiple %mul3A_3, 128 : i32
    %get3A = arith.constant 0 : index
    %get3A_4 = arith.index_cast %multiple_of3A : i32 to index
    %get3A_5 = vector.load %arg5[%get3A, %get3A_4] : memref<128x4096xf32, #tpu.memory_space<vmem>>, vector<128x2048xf32>
    %swap3A = arith.constant 0 : index
    %swap3A_6 = arith.constant 0 : index
    %swap3A_7 = arith.constant 0 : index
    %swap3A_8 = arith.constant 0 : index
    %swap3A_9 = vector.load %arg3[%swap3A, %swap3A_6, %swap3A_7, %swap3A_8] : memref<1x1x128x2048xf32, #tpu.memory_space<vmem>>, vector<1x1x128x2048xf32>
    %swap3A_10 = vector.shape_cast %swap3A_9 : vector<1x1x128x2048xf32> to vector<128x2048xf32>
    %swap3A_11 = vector.shape_cast %get3A_5 : vector<128x2048xf32> to vector<1x1x128x2048xf32>
    tpu.vector_store %arg3[%swap3A, %swap3A_6, %swap3A_7, %swap3A_8], %swap3A_11 {strides = array<i32>} : memref<1x1x128x2048xf32, #tpu.memory_space<vmem>>, vector<1x1x128x2048xf32>,
    return
  }
  func.func @transform_0(%arg0: i32, %arg1: i32) -> (i32, i32, i32) {
    %c0_i32 = arith.constant 0 : i32
    %c0_i32_0 = arith.constant 0 : i32
    %c0_i32_1 = arith.constant 0 : i32
    return %arg0, %c0_i32, %c0_i32_0 : i32, i32, i32
  }
  func.func @transform_1(%arg0: i32, %arg1: i32) -> (i32, i32, i32, i32) {
    %c0_i32 = arith.constant 0 : i32
    %c0_i32_0 = arith.constant 0 : i32
    %c0_i32_1 = arith.constant 0 : i32
    return %c0_i32, %arg0, %arg1, %c0_i32_0 : i32, i32, i32, i32
  }
}

</mosaic_0001>

<sc_bundles>
// kernel: kernel.5.cloned.1.call-start
scs
__scs_entry_jumppad:
0x0: {  	(pc) =	sbr.rel $0x88, $3  }
0x1: {  	(tag) =	ssettag $0x0;
	lr =	simm.s32 $0x1  }
0x2: {  	[smem:$0x3F9D] =	sst lr;
	_ =	strace $0xD0000000  }
0x3: {  	_ = 	snop  }
0x4: {  	_ = 	snop  }
0x5: {  	_ = 	snop  }
0x6: {  	_ = 	snop  }
0x7: {  	_ = 	snop  }
__scs_overlays_trampoline_lowered:
0x8: {  	[smem:$0x3FAC] =	sst s0  }
0x9: {  	[smem:$0x3FAD] =	sst s1  }
0xa: {  	[smem:$0x3FAE] =	sst s2  }
0xb: {  	[smem:$0x3FAF] =	sst s3  }
0xc: {  	[smem:$0x3FB0] =	sst s4  }
0xd: {  	[smem:$0x3FB1] =	sst s5  }
0xe: {  	[smem:$0x3FB2] =	sst s6  }
0xf: {  	[smem:$0x3FB3] =	sst s7  }
0x10: {  	[smem:$0x3FB4] =	sst s8  }
0x11: {  	[smem:$0x3FB5] =	sst s9;
	s0 =	simm.s32 @!p0 $0x0  }
0x12: {  	s1 =	sld [smem:$0x3F9B];
	s0 =	simm.s32 @p0 $0x1  }
0x13: {  	[smem:$0x3FB6] =	sst s0;
	s0 =	simm.s32 @!p1 $0x0  }
0x14: {  	s2 =	sld [smem:$0x3F9A];
	s0 =	simm.s32 @p1 $0x1  }
0x15: {  	[smem:$0x3FB7] =	sst s0;
	s0 =	simm.s32 @!p2 $0x0  }
0x16: {  	s3 =	sld [smem:$0x3FDB];
	s0 =	simm.s32 @p2 $0x1  }
0x17: {  	s4 =	simm.s32 $0x1BF5;
	[smem:$0x3FB9] =	sst s0  }
0x18: {  	s0 =	sld [smem:$0x3F9C];
	_ =	swait.ge [sflag:s4], $0x0  }
0x19: {  	s7 =	sld [smem:$0x3F9D]  }
0x1a: {  	s8 =	sadd.s32 $0xFFFFE003, lr  }
0x1b: {  	s9 =	sadd.s32 $0xFFFFFEF7, lr;
	s5 =	simm.s32 $0xFFFFFFFF;
	p2 =	slt.u32 s8, $0xFFFFF086  }
0x1c: {  	p1 =	slt.u32 s9, $0xF7A;
	s5 =	simm.s32 @!p2 $0x0  }
0x1d: {  	s5 =	simm.s32 @p1 $0x1;
	p0 =	seq.s32 s7, s2  }
0x1e: {  	s7 =	smul.u32 @!p0 $0xF7A, s2;
	p2 =	seq.s32 @!p0 s5, $0x0  }
0x1f: {  	s9 =	smul.u32 $0xF7A, s1;
	s8 =	simm.s32 @!p0 $0x1BF5;
	p2 =	por !p2, p0  }
0x20: {  	[sflag:s8] =	ssyncset.s32 @!p0 $0xFFFFF086;
	s6 =	sadd.s32 @!p0 s3, s7;
	s7 =	simm.s32 @!p0 $0x108  }
0x21: {  	s3 =	sadd.s32 s3, s9;
	s6 =	sadd.s32 @!p0 $0x88, s6;
	s7 =	simm.s32 @p2 $0x1082  }
0x22: {  	[simem:s7], [sflag:s8] =	dma.local @!p0 [hbm:s6], $0xF7A  }
0x23: {  	s9 =	sor.u32 $0xD0000000, s2;
	s6 =	simm.s32 $0x108;
	_ =	swait.ge @!p0 [sflag:s8], $0x0  }
0x24: {  	s3 =	sadd.s32 $0x88, s3;
	s6 =	simm.s32 @!p1 $0x1082;
	[sflag:s4] =	ssyncset.s32 $0xFFFFF086  }
0x25: {  	[simem:s6], [sflag:s4] =	dma.local [hbm:s3], $0xF7A  }
0x26: {  	[smem:$0x3F9D] =	sst s1;
	(tag) =	ssettag s2;
	_ =	strace s9  }
0x27: {  	s1 =	sld [smem:$0x3FAD]  }
0x28: {  	s2 =	sld [smem:$0x3FAE]  }
0x29: {  	s4 =	sld [smem:$0x3FB0]  }
0x2a: {  	p0 =	seq.s32 s5, $0x0;
	s5 =	sld [smem:$0x3FB1]  }
0x2b: {  	s6 =	sld [smem:$0x3FB2]  }
0x2c: {  	s7 =	sld [smem:$0x3FB3]  }
0x2d: {  	s3 =	simm.s32 $0x108;
	s8 =	sld [smem:$0x3FB4]  }
0x2e: {  	s3 =	simm.s32 @!p0 $0x1082;
	s9 =	sld [smem:$0x3FB5]  }
0x2f: {  	lr =	sadd.s32 s0, s3;
	s0 =	sld [smem:$0x3FAC]  }
0x30: {  	s3 =	sld [smem:$0x3FAF]  }
0x31: {  	[smem:$0x3FB8] =	sst s10  }
0x32: {  	s10 =	sld [smem:$0x3FB6];
	_ =	sdelay $0x3  }
0x33: {  	p0 =	seq.s32 s10, $0x1;
	s10 =	sld [smem:$0x3FB8];
	_ =	sdelay $0x3  }
0x34: {  	[smem:$0x3FB8] =	sst s10  }
0x35: {  	s10 =	sld [smem:$0x3FB7];
	_ =	sdelay $0x3  }
0x36: {  	p1 =	seq.s32 s10, $0x1;
	s10 =	sld [smem:$0x3FB8];
	_ =	sdelay $0x3  }
0x37: {  	[smem:$0x3FB8] =	sst s10  }
0x38: {  	s10 =	sld [smem:$0x3FB9]  }
0x39: {  	_ = 	snop;
	(pc) =	sbr.ind lr, $3  }
0x3a: {  	_ = 	snop  }
0x3b: {  	_ = 	snop  }
0x3c: {  	p2 =	seq.s32 s10, $0x1;
	s10 =	sld [smem:$0x3FB8]  }
0x3d: {  	_ =	shalt  }
0x3e: {  	_ =	shalt  }
0x3f: {  	_ =	shalt  }
0x40: {  	_ =	shalt  }
0x41: {  	_ =	shalt  }
0x42: {  	_ =	shalt  }
0x43: {  	_ =	shalt  }
0x44: {  	_ =	shalt  }
0x45: {  	_ =	shalt  }
0x46: {  	_ =	shalt  }
0x47: {  	_ =	shalt  }
0x48: {  	_ =	shalt  }
0x49: {  	_ =	shalt  }
0x4a: {  	_ =	shalt  }
0x4b: {  	_ =	shalt  }
0x4c: {  	_ =	shalt  }
0x4d: {  	_ =	shalt  }
0x4e: {  	_ =	shalt  }
0x4f: {  	_ =	shalt  }
0x50: {  	_ =	shalt  }
0x51: {  	_ =	shalt  }
0x52: {  	_ =	shalt  }
0x53: {  	_ =	shalt  }
0x54: {  	_ =	shalt  }
0x55: {  	_ =	shalt  }
0x56: {  	_ =	shalt  }
0x57: {  	_ =	shalt  }
0x58: {  	_ =	shalt  }
0x59: {  	_ =	shalt  }
0x5a: {  	_ =	shalt  }
0x5b: {  	_ =	shalt  }
0x5c: {  	_ =	shalt  }
0x5d: {  	_ =	shalt  }
0x5e: {  	_ =	shalt  }
0x5f: {  	_ =	shalt  }
0x60: {  	_ =	shalt  }
0x61: {  	_ =	shalt  }
0x62: {  	_ =	shalt  }
0x63: {  	_ =	shalt  }
0x64: {  	_ =	shalt  }
0x65: {  	_ =	shalt  }
0x66: {  	_ =	shalt  }
0x67: {  	_ =	shalt  }
0x68: {  	_ =	shalt  }
0x69: {  	_ =	shalt  }
0x6a: {  	_ =	shalt  }
0x6b: {  	_ =	shalt  }
0x6c: {  	_ =	shalt  }
0x6d: {  	_ =	shalt  }
0x6e: {  	_ =	shalt  }
0x6f: {  	_ =	shalt  }
0x70: {  	_ =	shalt  }
0x71: {  	_ =	shalt  }
0x72: {  	_ =	shalt  }
0x73: {  	_ =	shalt  }
0x74: {  	_ =	shalt  }
0x75: {  	_ =	shalt  }
0x76: {  	_ =	shalt  }
0x77: {  	_ =	shalt  }
0x78: {  	_ =	shalt  }
0x79: {  	_ =	shalt  }
0x7a: {  	_ =	shalt  }
0x7b: {  	_ =	shalt  }
0x7c: {  	_ =	shalt  }
0x7d: {  	_ =	shalt  }
0x7e: {  	_ =	shalt  }
0x7f: {  	_ =	shalt  }
0x80: {  	_ =	shalt  }
0x81: {  	_ =	shalt  }
0x82: {  	_ =	shalt  }
0x83: {  	_ =	shalt  }
0x84: {  	_ =	shalt  }
0x85: {  	_ =	shalt  }
0x86: {  	_ =	shalt  }
0x87: {  	_ =	shalt  }
.Lfunc_end0:
.L_simem_size_0:
called_computation_lowered:
.L_overlay_start_0:
0x88: {  	s2 =	sld [smem:$0x3FD9]  }
0x89: {  	s3 =	sld [smem:$0x3FFE];
	_ =	sdelay $0x1  }
0x8a: {  	s1 =	srdreg.scid  }
0x8b: {  	s0 =	sand.u32 $0x1, s1  }
0x8c: {  	s17 =	sshll.u32 s0, $0xA;
	s2 =	sadd.s32 s3, s2  }
0x8d: {  	s2 =	sadd.s32 s2, s17  }
0x8e: {  	[smem:$0x3FC4] =	sst s2  }
0x8f: {  	_ = 	snop  }
0x90: {  	s2 =	sld [smem:$0x3FD0];
	(tm) =	ssettm $0x1  }
0x91: {  	s18 =	sld [smem:$0x3FFB];
	_ =	sdelay $0x3  }
0x92: {  	_ =	strace s18  }
0x93: {  	s3 =	sld [smem:$0x3FFC];
	_ =	sdelay $0x3  }
0x94: {  	_ =	strace s3  }
0x95: {  	s3 =	sld [smem:$0x3FFD];
	_ =	sdelay $0x3  }
0x96: {  	_ =	strace s3  }
0x97: {  	_ =	strace $0x8FFFFFFF  }
0x98: {  	s19 =	sld [smem:$0x3FDB];
	_ =	sdelay $0x1  }
0x99: {  	s4 =	simm.s32 $_scs_section_size  }
0x9a: {  	s5 =	simm.s32 $_size__tile_overlayer_lowered;
	s6 =	simm.s32 $_tile_overlayer_lowered  }
0x9b: {  	s22 =	simm.s32 $0x1BFF;
	s21 =	sshll.u32 s6, $0x1;
	s3 =	sadd.s32 s4, s19  }
0x9c: {  	s7 =	simm.s32 $0x0;
	s20 =	sshll.u32 s5, $0x1;
	s5 =	sadd.s32 s21, s3  }
0x9d: {  	[timem:s7], [sflag:s22] =	dma.local [hbm:s5], s20  }
0x9e: {  	_ =	swait.ge [sflag:s22], s20  }
0x9f: {  	s4 =	ssub.s32 $0x0, s20;
	[sflag:s22] =	ssyncset.done $0x0  }
0xa0: {  	[sflag:s22] =	ssyncadd.s32 s4;
	_ =	sdelay $0x1  }
0xa1: {  	s23 =	simm.s32 $0x1B8B  }
0xa2: {  	_ =	swait.ge [sflag:s23], $0x1  }
0xa3: {  	[sflag:s23] =	ssyncset.done $0x0  }
0xa4: {  	s25 =	simm.s32 $0x1B8E;
	s24 =	sld [smem:$0x3FFE];
	[sflag:s23] =	ssyncadd.s32 $0xFFFFFFFF  }
0xa5: {  	s26 =	simm.s32 $execute0_lowered;
	[smem:$0x3FD2] =	sst s25  }
0xa6: {  	s5 =	sshll.u32 s26, $0x1;
	_ =	strace $0x80000046;
	[dreg:$0x1] =	wrdreg $0xFFFFFFFF  }
0xa7: {  	s28 =	simm.s32 $_size_execute0_lowered;
	s3 =	sadd.s32 s3, s5;
	[dreg:$0x0] =	wrdreg $0x0  }
0xa8: {  	s5 =	sshll.u32 s28, $0x1;
	[dreg:$0x2] =	wrdreg s3  }
0xa9: {  	[dreg:$0x3] =	wrdreg s5  }
0xaa: {  	[dreg:$0x4] =	wrdreg $0xC0  }
0xab: {  	_ =	task [dreg:s7], $0x5FFFF  }
0xac: {  	[dreg:$0x1] =	wrdreg $0xFFFFFFFF  }
0xad: {  	[dreg:$0x0] =	wrdreg $0x60  }
0xae: {  	[dreg:$0x2] =	wrdreg s24  }
0xaf: {  	[dreg:$0x3] =	wrdreg s2  }
0xb0: {  	[dreg:$0x4] =	wrdreg $0x9  }
0xb1: {  	_ =	task.clear_ibuf [dreg:s7], $0x5FFFF;
	_ =	strace $0x90000046  }
0xb2: {  	s29 =	simm.s32 $0x9;
	_ =	strace $0x80000048  }
0xb3: {  	_ =	swait.ge [sflag:s29], $0x1  }
0xb4: {  	[sflag:s29] =	ssyncadd.s32 $0xFFFFFFFF  }
0xb5: {  	_ =	strace $0x90000048  }
0xb6: {  	_ =	sfence  }
0xb7: {  	s30 =	sld [smem:$0x0];
	_ =	sdelay $0x2  }
0xb8: {  	s31 =	sshll.u32 s1, $0xD;
	s1 =	sshrl.u32 s1, $0x2  }
0xb9: {  	s3 =	sand.u32 $0x4000, s31;
	s1 =	sadd.s32 s1, s30  }
0xba: {  	s0 =	sor.u32 s3, s0;
	s1 =	sshll.u32 s1, $0x11  }
0xbb: {  	s0 =	sor.u32 s1, s0  }
0xbc: {  	s0 =	sadd.s32 $0x8F2B, s0  }
0xbd: {  	[sflag:s0] =	ssyncadd.remote.s32 $0x1  }
0xbe: {  	_ =	sfence.sel $0xFFFF  }
0xbf: {  	[dreg:$0x0] =	wrdreg $0xFFFFFFFF;
	(pc) =	sbr.abs _section_cstart, $3  }
0xc0: {  	[dreg:$0x1] =	wrdreg $0xFFFFFFFF  }
0xc1: {  	_ =	task.clear_ibuf [dreg:s7], $0x2FFFF;
	_ =	strace $0x9FFFFFFF  }
0xc2: {  	(tm) =	ssettm $0x7FFFFFFF  }
0xc3: {  	_ =	shalt  }
tec
execute0_lowered:
.L_overlay_start_1:
0x0: {  	(tag) =	ssettag $0x1  }
0x1: {  	s0 =	srdreg.scid  }
0x2: {  	s1 =	stileid.u32;
	s5 =	sand.u32 $0x1, s0  }
0x3: {  	s4 =	rddreg [dreg:$0x0];
	s3 =	sor.u32 s5, s1  }
0x4: {  	s6 =	rddreg [dreg:$0x1];
	p0 =	seq.s32 s5, $0x1;
	p1 =	seq.s32 s3, $0x0  }
0x5: {  	s2 =	simm.s32 $0x0;
	s7 =	simm.s32 $0x840;
	p1 =	por !p1, !p0  }
0x6: {  	[smem:$0x7FF] =	sst s2;
	s3 =	simm.s32 $0x1;
	p1 =	por !p1, !p1  }
0x7: {  	s0 =	rddreg [dreg:$0x2];
	_ =	strace $0x80000047;
	s3 =	simm.s32 @!p1 $0x0  }
0x8: {  	s5 =	ssub.s32 $0x2, s5;
	s7 =	simm.s32 @!p0 $0x0;
	s3 =	ssub.s32 s1, s3  }
0x9: {  	s30 =	sshrl.u32 s5, $0x1;
	s8 =	sshrl.u32 s7, $0x3;
	s9 =	sshll.u32 s3, $0x2  }
0xa: {  	s31 =	ssub.s32 s5, s30;
	s10 =	smul.u32 $0x1080, s3;
	s9 =	sand.u32 $0x1FFFFFFC, s9  }
0xb: {  	s8 =	sadd.s32 s8, s4;
	s3 =	simm.s32 $0x1;
	s9 =	sadd.s32 s9, s4  }
0xc: {  	s7 =	sadd.s32 s7, s10;
	s4 =	sadd.s32 $0x400, s8;
	s8 =	simm.s32 $0x880  }
0xd: {  	s10 =	simm.s32 $0x0;
	s7 =	sshrl.u32 s7, $0x3;
	s5 =	sadd.s32 $0x200, s9  }
0xe: {  	s9 =	simm.s32 $0x900;
	s6 =	sadd.s32 s6, s7;
	s7 =	smax.u32 s31, $0x1  }
.LBB2_1:
0xf: {  	[tilespmem:s2], [sflag:$0x1] =	stream.linear.gather [hbm4b:s4+s2], $0x840, $0x38;
	[tilespmem:$0x1180] =	vst v63  }
0x10: {  	_ =	swait.ge [sflag:s3], $0x840  }
0x11: {  	[sflag:s3] =	ssyncset.done $0x0  }
0x12: {  	[sflag:s3] =	ssyncadd.s32 $0xFFFFF7C0  }
0x13: {  	[tilespmem:s8], [sflag:$0x1] =	stream.linear.gather [hbm4b:s5+s2], $0x20, $0x38;
	[tilespmem:$0x1180] =	vst v63  }
0x14: {  	_ =	swait.ge [sflag:s3], $0x20  }
0x15: {  	[sflag:s3] =	ssyncset.done $0x0  }
0x16: {  	s11 =	simm.s32 $0x0;
	[sflag:s3] =	ssyncadd.s32 $0xFFFFFFE0  }
0x17: {  	v2 =	vld [tilespmem:s11+$0x0];
	_ =	sdelay $0x1  }
0x18: {  	v0 =	vld [tilespmem:$0x880]  }
0x19: {  	v1 =	vld [tilespmem:$0x890];
	_ =	sdelay $0x1  }
0x1a: {  	s12 =	simm.s32 $0x10;
	v3 =	vadd.s32 $0xFFFFFFF0, v2;
	vm0 =	vlt.s32 v2, $0xF  }
0x1b: {  	vm15 =	vlt.s32 v2, $0x10;
	vm1 =	vgt.s32 v3, $0x0;
	v4 =	vnsel vm0, $0xF, v2;
	v2 =	vld [tilespmem:s12+$0x0]  }
0x1c: {  	v3 =	vnsel vm1, $0x0, v3  }
0x1d: {  	v4 =	vperm.xlane v0, v4;
	v3 =	vperm.xlane v1, v3;
	_ =	sdelay $0x1  }
0x1e: {  	s13 =	simm.s32 $0x80;
	v3 =	vsel vm15, v4, v3  }
.LBB2_2:
0x1f: {  	s14 =	sshra.s32 s13, $0x2;
	p0 =	sne.s32 s13, $0x20C0;
	s13 =	sadd.s32 $0x40, s13;
	v4 =	vadd.s32 $0xFFFFFFF0, v2;
	[tilespmem:s11+$0x900] =	vst v3;
	v3 =	vmov v2  }
.Ltmp0:
0x20: {  	s11 =	smov.u32 s12;
	v2 =	vld [tilespmem:s14+$0x0];
	vm0 =	vlt.s32 v3, $0xF;
	vm1 =	vgt.s32 v4, $0x0;
	s12 =	smov.u32 s14;
	(pc) =	sbr.rel @p0 .LBB2_2-.Ltmp0, $4  }
0x21: {  	v5 =	vnsel vm0, $0xF, v3;
	v4 =	vnsel vm1, $0x0, v4  }
0x22: {  	v5 =	vperm.xlane v0, v5;
	v4 =	vperm.xlane v1, v4  }
0x23: {  	vm0 =	vlt.s32 v3, $0x10  }
0x24: {  	v3 =	vsel vm0, v5, v4  }
0x25: {  	v4 =	vadd.s32 $0xFFFFFFF0, v2  }
0x26: {  	vm0 =	vlt.s32 v2, $0xF;
	vm1 =	vgt.s32 v4, $0x0  }
0x27: {  	v5 =	vnsel vm0, $0xF, v2;
	v4 =	vnsel vm1, $0x0, v4  }
0x28: {  	v0 =	vperm.xlane v0, v5;
	v1 =	vperm.xlane v1, v4  }
0x29: {  	vm15 =	vlt.s32 v2, $0x10;
	s10 =	sadd.s32 $0x1, s10  }
0x2a: {  	[tilespmem:s11+$0x900] =	vst v3;
	p0 =	sne.s32 s10, s7;
	v0 =	vsel vm15, v0, v1  }
.Ltmp1:
0x2b: {  	[tilespmem:s12+$0x900] =	vst v0;
	(pc) =	sbr.rel @p0 .LBB2_1-.Ltmp1, $4  }
0x2c: {  	[hbm4b:s6+s2] =	stream.linear.scatter [tilespmem:s9], [sflag:$0x1], $0x840, $0x38;
	[tilespmem:$0x1180] =	vst v63  }
0x2d: {  	_ =	swait.ge [sflag:s3], $0x840  }
0x2e: {  	[sflag:s3] =	ssyncset.done $0x0  }
0x2f: {  	[sflag:s3] =	ssyncadd.s32 $0xFFFFF7C0  }
0x30: {  	_ =	sfence.sel $0x180000  }
0x31: {  	[bflag:$0x0] =	sbarrier.arrive $0xFFFF  }
0x32: {  	p0 =	sne.s32 s1, $0x0;
	_ =	strace $0x90000047  }
0x33: {  	s0 =	sadd.s32 @!p0 $0x100000, s0;
	[bflag:$0x2] =	sbarrier.arrive $0xFFFF  }
0x34: {  	[sflag:s0] =	ssyncadd.tile.s32 @!p0 $0x1;
	_ =	shalt  }
.Lfunc_end2:
_tile_overlayer_lowered:
.L_overlay_start_2:
0x35: {  	(tag) =	ssettag $0x2  }
0x36: {  	s0 =	rddreg [dreg:$0x0];
	s2 =	stileid.u32  }
0x37: {  	s1 =	rddreg [dreg:$0x1];
	p0 =	sne.s32 s2, $0x0  }
0x38: {  	s3 =	rddreg [dreg:$0x2];
	[bflag:$0x3] =	sbarrier.arrive $0xFFFF;
	s2 =	simm.s32 @!p0 $0x1C01  }
0x39: {  	[timem:s3], [sflag:s2] =	dma.local @!p0 [hbm:s0], s1  }
0x3a: {  	s0 =	simm.s32 @!p0 $0x1  }
0x3b: {  	_ =	swait.ge @!p0 [sflag:s0], s1  }
0x3c: {  	s1 =	ssub.s32 @!p0 $0x0, s1;
	[sflag:s0] =	ssyncset.done @!p0 $0x0  }
0x3d: {  	[sflag:s0] =	ssyncadd.s32 @!p0 s1  }
0x3e: {  	[bflag:$0x3] =	sbarrier.arrive $0xFFFF  }
0x3f: {  	_ =	shalt  }

</sc_bundles>
